<compile_context>
chip_gen: v7x
topology: tpu7x:2x2x1
jax: 0.10.2.dev20260603
libtpu: 0.0.44.dev20260713+nightly
codegen_flags: <defaults>
</compile_context>

<pallas_src>
import functools

import jax
import jax.numpy as jnp
from jax import lax
from jax.experimental import pallas as pl
from jax.experimental.pallas import tpu as pltpu, tpu_sc as plsc

DIM = 64
B = 16384
GAMMA = 12.0

NUM_CORES = 2
NUM_SUBCORES = 16
NUM_WORKERS = NUM_CORES * NUM_SUBCORES
B_PER_W = B // NUM_WORKERS
CHUNK = 128
NCHUNK = B_PER_W // CHUNK
LANES = 16
NGROUP = CHUNK // LANES


def _sc_body(ent2, rel2, hrow, rrow, trow, hpar, rpar, tpar, out_hbm,
             ih, ir, it, ph, pr, pt, hrows, rrows, trows, out_v, sem):
    wid = lax.axis_index("s") * NUM_CORES + lax.axis_index("c")
    base = wid * B_PER_W
    lane_iota = lax.iota(jnp.int32, LANES)

    def chunk_body(ch, carry):
        cbase = base + ch * CHUNK
        pltpu.sync_copy(hrow.at[pl.ds(cbase, CHUNK)], ih)
        pltpu.sync_copy(rrow.at[pl.ds(cbase, CHUNK)], ir)
        pltpu.sync_copy(trow.at[pl.ds(cbase, CHUNK)], it)
        pltpu.sync_copy(hpar.at[pl.ds(cbase, CHUNK)], ph)
        pltpu.sync_copy(rpar.at[pl.ds(cbase, CHUNK)], pr)
        pltpu.sync_copy(tpar.at[pl.ds(cbase, CHUNK)], pt)
        pltpu.async_copy(ent2.at[ih], hrows, sem)
        pltpu.async_copy(rel2.at[ir], rrows, sem)
        pltpu.async_copy(ent2.at[it], trows, sem)
        pltpu.make_async_copy(ent2.at[ih], hrows, sem).wait()
        pltpu.make_async_copy(rel2.at[ir], rrows, sem).wait()
        pltpu.make_async_copy(ent2.at[it], trows, sem).wait()

        def grp_body(g, carry):
            hp = ph[pl.ds(g * LANES, LANES)]
            rp = pr[pl.ds(g * LANES, LANES)]
            tp = pt[pl.ds(g * LANES, LANES)]

            def smp_body(l, vacc):
                s = g * LANES + l
                lsplat = jnp.full((LANES,), l, jnp.int32)
                hsel = jnp.take_along_axis(hp, lsplat, axis=0) != 0
                rsel = jnp.take_along_axis(rp, lsplat, axis=0) != 0
                tsel = jnp.take_along_axis(tp, lsplat, axis=0) != 0
                acc = jnp.zeros((LANES,), jnp.float32)
                for k in range(DIM // LANES):
                    hv = jnp.where(hsel, hrows[s, pl.ds(64 + k * 16, 16)],
                                   hrows[s, pl.ds(k * 16, 16)])
                    rv = jnp.where(rsel, rrows[s, pl.ds(64 + k * 16, 16)],
                                   rrows[s, pl.ds(k * 16, 16)])
                    tv = jnp.where(tsel, trows[s, pl.ds(64 + k * 16, 16)],
                                   trows[s, pl.ds(k * 16, 16)])
                    acc = acc + jnp.abs(hv + rv - tv)
                tot = jnp.sum(acc)
                return jnp.where(lane_iota == l, tot, vacc)

            vacc = lax.fori_loop(0, LANES, smp_body,
                                 jnp.zeros((LANES,), jnp.float32))
            out_v[pl.ds(ch * CHUNK + g * LANES, LANES)] = GAMMA - vacc
            return carry

        lax.fori_loop(0, NGROUP, grp_body, 0)
        return carry

    lax.fori_loop(0, NCHUNK, chunk_body, 0)
    pltpu.sync_copy(out_v, out_hbm.at[pl.ds(base, B_PER_W)])


@jax.jit
def _score(ent2, rel2, hrow, rrow, trow, hpar, rpar, tpar):
    mesh = plsc.VectorSubcoreMesh(
        core_axis_name="c", subcore_axis_name="s",
        num_cores=NUM_CORES, num_subcores=NUM_SUBCORES)
    kern = functools.partial(
        pl.kernel, mesh=mesh,
        out_type=jax.ShapeDtypeStruct((B,), jnp.float32),
        scratch_types=[
            pltpu.VMEM((CHUNK,), jnp.int32),
            pltpu.VMEM((CHUNK,), jnp.int32),
            pltpu.VMEM((CHUNK,), jnp.int32),
            pltpu.VMEM((CHUNK,), jnp.int32),
            pltpu.VMEM((CHUNK,), jnp.int32),
            pltpu.VMEM((CHUNK,), jnp.int32),
            pltpu.VMEM((CHUNK, 128), jnp.float32),
            pltpu.VMEM((CHUNK, 128), jnp.float32),
            pltpu.VMEM((CHUNK, 128), jnp.float32),
            pltpu.VMEM((B_PER_W,), jnp.float32),
            pltpu.SemaphoreType.DMA,
        ],
        compiler_params=pltpu.CompilerParams(
            needs_layout_passes=False, use_tc_tiling_on_sc=True),
    )(_sc_body)
    return kern(ent2, rel2, hrow, rrow, trow, hpar, rpar, tpar)


def kernel(sample, entity_embedding, relation_embedding):
    idx = sample.astype(jnp.int32)
    score = _score(
        entity_embedding.reshape(500000, 128),
        relation_embedding.reshape(500000, 128),
        idx[:, 0] >> 1, idx[:, 1] >> 1, idx[:, 2] >> 1,
        idx[:, 0] & 1, idx[:, 1] & 1, idx[:, 2] & 1)
    return score.reshape(B, 1)

# --- scband reference (transcript-rebuilt; emitter-appended) ---
"""Pipeline reference for scband-kgemodel-43765716746832 (READ-ONLY COPY).

The authoritative reference and input builder live on the scoring server;
editing this copy changes nothing except your own understanding.
"""

import jax, jax.numpy as jnp
import numpy as np

NENTITY = 1000000
NRELATION = 1000000
DIM = 64
B = 16384
GAMMA = 12.0
EPSILON = 2.0
EMB_RANGE = (GAMMA + EPSILON) / DIM


def setup_inputs(seed: int = 0) -> dict:
    key = jax.random.key(seed)
    k1, k2, k3 = jax.random.split(key, 3)
    sample = jax.random.randint(k1, (B, 3), 0, NENTITY)
    entity_embedding = jax.random.uniform(k2, (NENTITY, DIM), minval=-EMB_RANGE, maxval=EMB_RANGE, dtype=jnp.float32)
    relation_embedding = jax.random.uniform(k3, (NRELATION, DIM), minval=-EMB_RANGE, maxval=EMB_RANGE, dtype=jnp.float32)
    return {"sample": sample, "entity_embedding": entity_embedding, "relation_embedding": relation_embedding}


def reference(sample, entity_embedding, relation_embedding):
    # mode == 'single': TransE score
    head = jnp.take(entity_embedding, sample[:, 0], axis=0)[:, None, :]
    relation = jnp.take(relation_embedding, sample[:, 1], axis=0)[:, None, :]
    tail = jnp.take(entity_embedding, sample[:, 2], axis=0)[:, None, :]
    score = head + relation - tail
    score = GAMMA - jnp.sum(jnp.abs(score), axis=2)  # L1 norm over dim 2
    return score  # shape (B, 1)

if __name__ == "__main__":
    import jax
    _d = setup_inputs()
    print(jax.jit(kernel)(*tuple(_d.values())))

</pallas_src>

<mosaic_0001>
#map = affine_map<(d0, d1) -> (0, 0)>
#map1 = affine_map<(d0, d1) -> (0)>
module attributes {stable_mosaic.version = 14 : i64} {
  func.func @_sc_body(%arg0: i32, %arg1: i32, %arg2: memref<500000x128xf32, #tpu.memory_space<hbm>>, %arg3: memref<500000x128xf32, #tpu.memory_space<hbm>>, %arg4: memref<16384xi32, #tpu.memory_space<hbm>>, %arg5: memref<16384xi32, #tpu.memory_space<hbm>>, %arg6: memref<16384xi32, #tpu.memory_space<hbm>>, %arg7: memref<16384xi32, #tpu.memory_space<hbm>>, %arg8: memref<16384xi32, #tpu.memory_space<hbm>>, %arg9: memref<16384xi32, #tpu.memory_space<hbm>>, %arg10: memref<16384xf32, #tpu.memory_space<hbm>>, %arg11: memref<128xi32, #tpu.memory_space<vmem>>, %arg12: memref<128xi32, #tpu.memory_space<vmem>>, %arg13: memref<128xi32, #tpu.memory_space<vmem>>, %arg14: memref<128xi32, #tpu.memory_space<vmem>>, %arg15: memref<128xi32, #tpu.memory_space<vmem>>, %arg16: memref<128xi32, #tpu.memory_space<vmem>>, %arg17: memref<128x128xf32, #tpu.memory_space<vmem>>, %arg18: memref<128x128xf32, #tpu.memory_space<vmem>>, %arg19: memref<128x128xf32, #tpu.memory_space<vmem>>, %arg20: memref<512xf32, #tpu.memory_space<vmem>>, %arg21: memref<!tpu.dma_semaphore, #tpu.memory_space<semaphore_mem>>) attributes {dimension_semantics = [#tpu.dimension_semantics<core_parallel>, #tpu.dimension_semantics<subcore_parallel>], iteration_bounds = array<i64: 2, 16>, scalar_prefetch = 0 : i64, scratch_operands = 11 : i64, tpu.core_type = #tpu.core_type<sc_vector_subcore>, window_params = [{transform_indices = #map}, {transform_indices = #map}, {transform_indices = #map1}, {transform_indices = #map1}, {transform_indices = #map1}, {transform_indices = #map1}, {transform_indices = #map1}, {transform_indices = #map1}, {transform_indices = #map1}]} {
    %mul3A = arith.constant 2 : i32
    %mul3A_0 = arith.muli %arg1, %mul3A : i32
    %add3A = arith.addi %mul3A_0, %arg0 : i32
    %mul3A_1 = arith.constant 512 : i32
    %mul3A_2 = arith.muli %add3A, %mul3A_1 : i32
    %iota3A = tpu.iota {dimensions = array<i32: 0>} : vector<16xi32>
    %scan3A = arith.constant 0 : i32
    %scan3A_3 = arith.constant 0 : i32
    %scan3A_4 = arith.constant 4 : i32
    %scan3A_5 = arith.addi %scan3A_3, %scan3A_4 : i32
    %scan3A_6 = arith.constant 1 : i32
    scf.for %scan3A_8 = %scan3A_3 to %scan3A_5 step %scan3A_6  : i32 {
      %mul3A_9 = arith.constant 128 : i32
      %mul3A_10 = arith.muli %scan3A_8, %mul3A_9 : i32
      %add3A_11 = arith.addi %mul3A_2, %mul3A_10 : i32
      "tpu.region"() ({
        %run_scoped3A = tpu.sem_alloc : memref<!tpu.dma_semaphore, #tpu.memory_space<semaphore_mem>>
        %dma_start3A_34 = tpu.memref_slice %arg4[%add3A_11] : memref<16384xi32, #tpu.memory_space<hbm>> -> memref<128xi32, #tpu.memory_space<hbm>>
        %dma_start3A_35 = tpu.memref_slice %arg4[%add3A_11] : memref<16384xi32, #tpu.memory_space<hbm>> -> memref<128xi32, #tpu.memory_space<hbm>>
        tpu.enqueue_dma source(%dma_start3A_35 : memref<128xi32, #tpu.memory_space<hbm>>) target(%arg11 : memref<128xi32, #tpu.memory_space<vmem>>) target_semaphore(%run_scoped3A : memref<!tpu.dma_semaphore, #tpu.memory_space<semaphore_mem>>)
        %dma_wait3A_36 = tpu.memref_slice %arg4[%add3A_11] : memref<16384xi32, #tpu.memory_space<hbm>> -> memref<128xi32, #tpu.memory_space<hbm>>
        %dma_wait3A_37 = tpu.memref_slice %arg4[%add3A_11] : memref<16384xi32, #tpu.memory_space<hbm>> -> memref<128xi32, #tpu.memory_space<hbm>>
        tpu.wait_dma2 semaphore(%run_scoped3A : memref<!tpu.dma_semaphore, #tpu.memory_space<semaphore_mem>>) src(%dma_wait3A_37 : memref<128xi32, #tpu.memory_space<hbm>>) dst(%arg11 : memref<128xi32, #tpu.memory_space<vmem>>)
        tpu.yield
      }) : () -> ()
      "tpu.region"() ({
        %run_scoped3A = tpu.sem_alloc : memref<!tpu.dma_semaphore, #tpu.memory_space<semaphore_mem>>
        %dma_start3A_34 = tpu.memref_slice %arg5[%add3A_11] : memref<16384xi32, #tpu.memory_space<hbm>> -> memref<128xi32, #tpu.memory_space<hbm>>
        %dma_start3A_35 = tpu.memref_slice %arg5[%add3A_11] : memref<16384xi32, #tpu.memory_space<hbm>> -> memref<128xi32, #tpu.memory_space<hbm>>
        tpu.enqueue_dma source(%dma_start3A_35 : memref<128xi32, #tpu.memory_space<hbm>>) target(%arg12 : memref<128xi32, #tpu.memory_space<vmem>>) target_semaphore(%run_scoped3A : memref<!tpu.dma_semaphore, #tpu.memory_space<semaphore_mem>>)
        %dma_wait3A_36 = tpu.memref_slice %arg5[%add3A_11] : memref<16384xi32, #tpu.memory_space<hbm>> -> memref<128xi32, #tpu.memory_space<hbm>>
        %dma_wait3A_37 = tpu.memref_slice %arg5[%add3A_11] : memref<16384xi32, #tpu.memory_space<hbm>> -> memref<128xi32, #tpu.memory_space<hbm>>
        tpu.wait_dma2 semaphore(%run_scoped3A : memref<!tpu.dma_semaphore, #tpu.memory_space<semaphore_mem>>) src(%dma_wait3A_37 : memref<128xi32, #tpu.memory_space<hbm>>) dst(%arg12 : memref<128xi32, #tpu.memory_space<vmem>>)
        tpu.yield
      }) : () -> ()
      "tpu.region"() ({
        %run_scoped3A = tpu.sem_alloc : memref<!tpu.dma_semaphore, #tpu.memory_space<semaphore_mem>>
        %dma_start3A_34 = tpu.memref_slice %arg6[%add3A_11] : memref<16384xi32, #tpu.memory_space<hbm>> -> memref<128xi32, #tpu.memory_space<hbm>>
        %dma_start3A_35 = tpu.memref_slice %arg6[%add3A_11] : memref<16384xi32, #tpu.memory_space<hbm>> -> memref<128xi32, #tpu.memory_space<hbm>>
        tpu.enqueue_dma source(%dma_start3A_35 : memref<128xi32, #tpu.memory_space<hbm>>) target(%arg13 : memref<128xi32, #tpu.memory_space<vmem>>) target_semaphore(%run_scoped3A : memref<!tpu.dma_semaphore, #tpu.memory_space<semaphore_mem>>)
        %dma_wait3A_36 = tpu.memref_slice %arg6[%add3A_11] : memref<16384xi32, #tpu.memory_space<hbm>> -> memref<128xi32, #tpu.memory_space<hbm>>
        %dma_wait3A_37 = tpu.memref_slice %arg6[%add3A_11] : memref<16384xi32, #tpu.memory_space<hbm>> -> memref<128xi32, #tpu.memory_space<hbm>>
        tpu.wait_dma2 semaphore(%run_scoped3A : memref<!tpu.dma_semaphore, #tpu.memory_space<semaphore_mem>>) src(%dma_wait3A_37 : memref<128xi32, #tpu.memory_space<hbm>>) dst(%arg13 : memref<128xi32, #tpu.memory_space<vmem>>)
        tpu.yield
      }) : () -> ()
      "tpu.region"() ({
        %run_scoped3A = tpu.sem_alloc : memref<!tpu.dma_semaphore, #tpu.memory_space<semaphore_mem>>
        %dma_start3A_34 = tpu.memref_slice %arg7[%add3A_11] : memref<16384xi32, #tpu.memory_space<hbm>> -> memref<128xi32, #tpu.memory_space<hbm>>
        %dma_start3A_35 = tpu.memref_slice %arg7[%add3A_11] : memref<16384xi32, #tpu.memory_space<hbm>> -> memref<128xi32, #tpu.memory_space<hbm>>
        tpu.enqueue_dma source(%dma_start3A_35 : memref<128xi32, #tpu.memory_space<hbm>>) target(%arg14 : memref<128xi32, #tpu.memory_space<vmem>>) target_semaphore(%run_scoped3A : memref<!tpu.dma_semaphore, #tpu.memory_space<semaphore_mem>>)
        %dma_wait3A_36 = tpu.memref_slice %arg7[%add3A_11] : memref<16384xi32, #tpu.memory_space<hbm>> -> memref<128xi32, #tpu.memory_space<hbm>>
        %dma_wait3A_37 = tpu.memref_slice %arg7[%add3A_11] : memref<16384xi32, #tpu.memory_space<hbm>> -> memref<128xi32, #tpu.memory_space<hbm>>
        tpu.wait_dma2 semaphore(%run_scoped3A : memref<!tpu.dma_semaphore, #tpu.memory_space<semaphore_mem>>) src(%dma_wait3A_37 : memref<128xi32, #tpu.memory_space<hbm>>) dst(%arg14 : memref<128xi32, #tpu.memory_space<vmem>>)
        tpu.yield
      }) : () -> ()
      "tpu.region"() ({
        %run_scoped3A = tpu.sem_alloc : memref<!tpu.dma_semaphore, #tpu.memory_space<semaphore_mem>>
        %dma_start3A_34 = tpu.memref_slice %arg8[%add3A_11] : memref<16384xi32, #tpu.memory_space<hbm>> -> memref<128xi32, #tpu.memory_space<hbm>>
        %dma_start3A_35 = tpu.memref_slice %arg8[%add3A_11] : memref<16384xi32, #tpu.memory_space<hbm>> -> memref<128xi32, #tpu.memory_space<hbm>>
        tpu.enqueue_dma source(%dma_start3A_35 : memref<128xi32, #tpu.memory_space<hbm>>) target(%arg15 : memref<128xi32, #tpu.memory_space<vmem>>) target_semaphore(%run_scoped3A : memref<!tpu.dma_semaphore, #tpu.memory_space<semaphore_mem>>)
        %dma_wait3A_36 = tpu.memref_slice %arg8[%add3A_11] : memref<16384xi32, #tpu.memory_space<hbm>> -> memref<128xi32, #tpu.memory_space<hbm>>
        %dma_wait3A_37 = tpu.memref_slice %arg8[%add3A_11] : memref<16384xi32, #tpu.memory_space<hbm>> -> memref<128xi32, #tpu.memory_space<hbm>>
        tpu.wait_dma2 semaphore(%run_scoped3A : memref<!tpu.dma_semaphore, #tpu.memory_space<semaphore_mem>>) src(%dma_wait3A_37 : memref<128xi32, #tpu.memory_space<hbm>>) dst(%arg15 : memref<128xi32, #tpu.memory_space<vmem>>)
        tpu.yield
      }) : () -> ()
      "tpu.region"() ({
        %run_scoped3A = tpu.sem_alloc : memref<!tpu.dma_semaphore, #tpu.memory_space<semaphore_mem>>
        %dma_start3A_34 = tpu.memref_slice %arg9[%add3A_11] : memref<16384xi32, #tpu.memory_space<hbm>> -> memref<128xi32, #tpu.memory_space<hbm>>
        %dma_start3A_35 = tpu.memref_slice %arg9[%add3A_11] : memref<16384xi32, #tpu.memory_space<hbm>> -> memref<128xi32, #tpu.memory_space<hbm>>
        tpu.enqueue_dma source(%dma_start3A_35 : memref<128xi32, #tpu.memory_space<hbm>>) target(%arg16 : memref<128xi32, #tpu.memory_space<vmem>>) target_semaphore(%run_scoped3A : memref<!tpu.dma_semaphore, #tpu.memory_space<semaphore_mem>>)
        %dma_wait3A_36 = tpu.memref_slice %arg9[%add3A_11] : memref<16384xi32, #tpu.memory_space<hbm>> -> memref<128xi32, #tpu.memory_space<hbm>>
        %dma_wait3A_37 = tpu.memref_slice %arg9[%add3A_11] : memref<16384xi32, #tpu.memory_space<hbm>> -> memref<128xi32, #tpu.memory_space<hbm>>
        tpu.wait_dma2 semaphore(%run_scoped3A : memref<!tpu.dma_semaphore, #tpu.memory_space<semaphore_mem>>) src(%dma_wait3A_37 : memref<128xi32, #tpu.memory_space<hbm>>) dst(%arg16 : memref<128xi32, #tpu.memory_space<vmem>>)
        tpu.yield
      }) : () -> ()
      %dma_start3A = arith.constant 0 : i32
      %dma_start3A_12 = arith.constant 0 : i32
      %dma_start3A_13 = tpu.memref_slice %arg2[%dma_start3A, %dma_start3A_12] : memref<500000x128xf32, #tpu.memory_space<hbm>> -> memref<500000x128xf32, #tpu.memory_space<hbm>>
      tpu.enqueue_indirect_dma source(%dma_start3A_13 : memref<500000x128xf32, #tpu.memory_space<hbm>>) target(%arg17 : memref<128x128xf32, #tpu.memory_space<vmem>>) offsets(%arg11 : memref<128xi32, #tpu.memory_space<vmem>>) semaphore(%arg21 : memref<!tpu.dma_semaphore, #tpu.memory_space<semaphore_mem>>)
      %dma_start3A_14 = arith.constant 0 : i32
      %dma_start3A_15 = arith.constant 0 : i32
      %dma_start3A_16 = tpu.memref_slice %arg3[%dma_start3A_14, %dma_start3A_15] : memref<500000x128xf32, #tpu.memory_space<hbm>> -> memref<500000x128xf32, #tpu.memory_space<hbm>>
      tpu.enqueue_indirect_dma source(%dma_start3A_16 : memref<500000x128xf32, #tpu.memory_space<hbm>>) target(%arg18 : memref<128x128xf32, #tpu.memory_space<vmem>>) offsets(%arg12 : memref<128xi32, #tpu.memory_space<vmem>>) semaphore(%arg21 : memref<!tpu.dma_semaphore, #tpu.memory_space<semaphore_mem>>)
      %dma_start3A_17 = arith.constant 0 : i32
      %dma_start3A_18 = arith.constant 0 : i32
      %dma_start3A_19 = tpu.memref_slice %arg2[%dma_start3A_17, %dma_start3A_18] : memref<500000x128xf32, #tpu.memory_space<hbm>> -> memref<500000x128xf32, #tpu.memory_space<hbm>>
      tpu.enqueue_indirect_dma source(%dma_start3A_19 : memref<500000x128xf32, #tpu.memory_space<hbm>>) target(%arg19 : memref<128x128xf32, #tpu.memory_space<vmem>>) offsets(%arg13 : memref<128xi32, #tpu.memory_space<vmem>>) semaphore(%arg21 : memref<!tpu.dma_semaphore, #tpu.memory_space<semaphore_mem>>)
      %dma_wait3A = arith.constant 0 : i32
      %dma_wait3A_20 = arith.constant 0 : i32
      %dma_wait3A_21 = tpu.memref_slice %arg2[%dma_wait3A, %dma_wait3A_20] : memref<500000x128xf32, #tpu.memory_space<hbm>> -> memref<500000x128xf32, #tpu.memory_space<hbm>>
      tpu.wait_indirect_dma semaphore(%arg21 : memref<!tpu.dma_semaphore, #tpu.memory_space<semaphore_mem>>) src(%dma_wait3A_21 : memref<500000x128xf32, #tpu.memory_space<hbm>>) dst(%arg17 : memref<128x128xf32, #tpu.memory_space<vmem>>)
      %dma_wait3A_22 = arith.constant 0 : i32
      %dma_wait3A_23 = arith.constant 0 : i32
      %dma_wait3A_24 = tpu.memref_slice %arg3[%dma_wait3A_22, %dma_wait3A_23] : memref<500000x128xf32, #tpu.memory_space<hbm>> -> memref<500000x128xf32, #tpu.memory_space<hbm>>
      tpu.wait_indirect_dma semaphore(%arg21 : memref<!tpu.dma_semaphore, #tpu.memory_space<semaphore_mem>>) src(%dma_wait3A_24 : memref<500000x128xf32, #tpu.memory_space<hbm>>) dst(%arg18 : memref<128x128xf32, #tpu.memory_space<vmem>>)
      %dma_wait3A_25 = arith.constant 0 : i32
      %dma_wait3A_26 = arith.constant 0 : i32
      %dma_wait3A_27 = tpu.memref_slice %arg2[%dma_wait3A_25, %dma_wait3A_26] : memref<500000x128xf32, #tpu.memory_space<hbm>> -> memref<500000x128xf32, #tpu.memory_space<hbm>>
      tpu.wait_indirect_dma semaphore(%arg21 : memref<!tpu.dma_semaphore, #tpu.memory_space<semaphore_mem>>) src(%dma_wait3A_27 : memref<500000x128xf32, #tpu.memory_space<hbm>>) dst(%arg19 : memref<128x128xf32, #tpu.memory_space<vmem>>)
      %scan3A_28 = arith.constant 0 : i32
      %scan3A_29 = arith.constant 0 : i32
      %scan3A_30 = arith.constant 8 : i32
      %scan3A_31 = arith.addi %scan3A_29, %scan3A_30 : i32
      %scan3A_32 = arith.constant 1 : i32
      scf.for %scan3A_34 = %scan3A_29 to %scan3A_31 step %scan3A_32  : i32 {
        %mul3A_35 = arith.constant 16 : i32
        %mul3A_36 = arith.muli %scan3A_34, %mul3A_35 : i32
        %get3A = arith.index_cast %mul3A_36 : i32 to index
        %get3A_37 = tpu.vector_load %arg14[%get3A] {strides = array<i32>} : memref<128xi32, #tpu.memory_space<vmem>>, vector<16xi32>,
        %mul3A_38 = arith.constant 16 : i32
        %mul3A_39 = arith.muli %scan3A_34, %mul3A_38 : i32
        %get3A_40 = arith.index_cast %mul3A_39 : i32 to index
        %get3A_41 = tpu.vector_load %arg15[%get3A_40] {strides = array<i32>} : memref<128xi32, #tpu.memory_space<vmem>>, vector<16xi32>,
        %mul3A_42 = arith.constant 16 : i32
        %mul3A_43 = arith.muli %scan3A_34, %mul3A_42 : i32
        %get3A_44 = arith.index_cast %mul3A_43 : i32 to index
        %get3A_45 = tpu.vector_load %arg16[%get3A_44] {strides = array<i32>} : memref<128xi32, #tpu.memory_space<vmem>>, vector<16xi32>,
        %broadcast_in_dim3A = arith.constant 0.000000e+00 : f32
        %broadcast_in_dim3A_46 = vector.broadcast %broadcast_in_dim3A : f32 to vector<16xf32>
        %scan3A_47 = arith.constant 0 : i32
        %scan3A_48 = arith.constant 16 : i32
        %scan3A_49 = arith.addi %scan3A_47, %scan3A_48 : i32
        %scan3A_50 = arith.constant 1 : i32
        %scan3A_51 = scf.for %scan3A_61 = %scan3A_47 to %scan3A_49 step %scan3A_50 iter_args(%scan3A_62 = %broadcast_in_dim3A_46) -> (vector<16xf32>)  : i32 {
          %mul3A_63 = arith.constant 16 : i32
          %mul3A_64 = arith.muli %scan3A_34, %mul3A_63 : i32
          %add3A_65 = arith.addi %mul3A_64, %scan3A_61 : i32
          %broadcast_in_dim3A_66 = vector.broadcast %scan3A_61 : i32 to vector<16xi32>
          %lt3A = arith.constant 0 : i32
          %lt3A_67 = vector.broadcast %lt3A : i32 to vector<16xi32>
          %lt3A_68 = arith.cmpi slt, %broadcast_in_dim3A_66, %lt3A_67 : vector<16xi32>
          %add3A_69 = arith.constant 16 : i32
          %add3A_70 = vector.broadcast %add3A_69 : i32 to vector<16xi32>
          %add3A_71 = arith.addi %broadcast_in_dim3A_66, %add3A_70 : vector<16xi32>
          %select_n3A = arith.select %lt3A_68, %add3A_71, %broadcast_in_dim3A_66 : vector<16xi1>, vector<16xi32>
          %reshape3A = vector.shape_cast %select_n3A : vector<16xi32> to vector<16x1xi32>
          %gather3A = vector.shape_cast %reshape3A : vector<16x1xi32> to vector<16xi32>
          %gather3A_72 = tpu.dynamic_gather %get3A_37[%gather3A] in [0] : vector<16xi32>, vector<16xi32> -> vector<16xi32>
          %ne3A = arith.constant 0 : i32
          %ne3A_73 = vector.broadcast %ne3A : i32 to vector<16xi32>
          %ne3A_74 = arith.cmpi ne, %gather3A_72, %ne3A_73 : vector<16xi32>
          %lt3A_75 = arith.constant 0 : i32
          %lt3A_76 = vector.broadcast %lt3A_75 : i32 to vector<16xi32>
          %lt3A_77 = arith.cmpi slt, %broadcast_in_dim3A_66, %lt3A_76 : vector<16xi32>
          %add3A_78 = arith.constant 16 : i32
          %add3A_79 = vector.broadcast %add3A_78 : i32 to vector<16xi32>
          %add3A_80 = arith.addi %broadcast_in_dim3A_66, %add3A_79 : vector<16xi32>
          %select_n3A_81 = arith.select %lt3A_77, %add3A_80, %broadcast_in_dim3A_66 : vector<16xi1>, vector<16xi32>
          %reshape3A_82 = vector.shape_cast %select_n3A_81 : vector<16xi32> to vector<16x1xi32>
          %gather3A_83 = vector.shape_cast %reshape3A_82 : vector<16x1xi32> to vector<16xi32>
          %gather3A_84 = tpu.dynamic_gather %get3A_41[%gather3A_83] in [0] : vector<16xi32>, vector<16xi32> -> vector<16xi32>
          %ne3A_85 = arith.constant 0 : i32
          %ne3A_86 = vector.broadcast %ne3A_85 : i32 to vector<16xi32>
          %ne3A_87 = arith.cmpi ne, %gather3A_84, %ne3A_86 : vector<16xi32>
          %lt3A_88 = arith.constant 0 : i32
          %lt3A_89 = vector.broadcast %lt3A_88 : i32 to vector<16xi32>
          %lt3A_90 = arith.cmpi slt, %broadcast_in_dim3A_66, %lt3A_89 : vector<16xi32>
          %add3A_91 = arith.constant 16 : i32
          %add3A_92 = vector.broadcast %add3A_91 : i32 to vector<16xi32>
          %add3A_93 = arith.addi %broadcast_in_dim3A_66, %add3A_92 : vector<16xi32>
          %select_n3A_94 = arith.select %lt3A_90, %add3A_93, %broadcast_in_dim3A_66 : vector<16xi1>, vector<16xi32>
          %reshape3A_95 = vector.shape_cast %select_n3A_94 : vector<16xi32> to vector<16x1xi32>
          %gather3A_96 = vector.shape_cast %reshape3A_95 : vector<16x1xi32> to vector<16xi32>
          %gather3A_97 = tpu.dynamic_gather %get3A_45[%gather3A_96] in [0] : vector<16xi32>, vector<16xi32> -> vector<16xi32>
          %ne3A_98 = arith.constant 0 : i32
          %ne3A_99 = vector.broadcast %ne3A_98 : i32 to vector<16xi32>
          %ne3A_100 = arith.cmpi ne, %gather3A_97, %ne3A_99 : vector<16xi32>
          %broadcast_in_dim3A_101 = arith.constant 0.000000e+00 : f32
          %broadcast_in_dim3A_102 = vector.broadcast %broadcast_in_dim3A_101 : f32 to vector<16xf32>
          %get3A_103 = arith.index_cast %add3A_65 : i32 to index
          %get3A_104 = arith.constant 64 : index
          %get3A_105 = tpu.vector_load %arg17[%get3A_103, %get3A_104] {strides = array<i32>} : memref<128x128xf32, #tpu.memory_space<vmem>>, vector<16xf32>,
          %get3A_106 = arith.index_cast %add3A_65 : i32 to index
          %get3A_107 = arith.constant 0 : index
          %get3A_108 = tpu.vector_load %arg17[%get3A_106, %get3A_107] {strides = array<i32>} : memref<128x128xf32, #tpu.memory_space<vmem>>, vector<16xf32>,
          %select_n3A_109 = arith.select %ne3A_74, %get3A_105, %get3A_108 : vector<16xi1>, vector<16xf32>
          %get3A_110 = arith.index_cast %add3A_65 : i32 to index
          %get3A_111 = arith.constant 64 : index
          %get3A_112 = tpu.vector_load %arg18[%get3A_110, %get3A_111] {strides = array<i32>} : memref<128x128xf32, #tpu.memory_space<vmem>>, vector<16xf32>,
          %get3A_113 = arith.index_cast %add3A_65 : i32 to index
          %get3A_114 = arith.constant 0 : index
          %get3A_115 = tpu.vector_load %arg18[%get3A_113, %get3A_114] {strides = array<i32>} : memref<128x128xf32, #tpu.memory_space<vmem>>, vector<16xf32>,
          %select_n3A_116 = arith.select %ne3A_87, %get3A_112, %get3A_115 : vector<16xi1>, vector<16xf32>
          %get3A_117 = arith.index_cast %add3A_65 : i32 to index
          %get3A_118 = arith.constant 64 : index
          %get3A_119 = tpu.vector_load %arg19[%get3A_117, %get3A_118] {strides = array<i32>} : memref<128x128xf32, #tpu.memory_space<vmem>>, vector<16xf32>,
          %get3A_120 = arith.index_cast %add3A_65 : i32 to index
          %get3A_121 = arith.constant 0 : index
          %get3A_122 = tpu.vector_load %arg19[%get3A_120, %get3A_121] {strides = array<i32>} : memref<128x128xf32, #tpu.memory_space<vmem>>, vector<16xf32>,
          %select_n3A_123 = arith.select %ne3A_100, %get3A_119, %get3A_122 : vector<16xi1>, vector<16xf32>
          %add3A_124 = arith.addf %select_n3A_109, %select_n3A_116 : vector<16xf32>
          %sub3A_125 = arith.subf %add3A_124, %select_n3A_123 : vector<16xf32>
          %abs3A = math.absf %sub3A_125 : vector<16xf32>
          %add3A_126 = arith.addf %broadcast_in_dim3A_102, %abs3A : vector<16xf32>
          %get3A_127 = arith.index_cast %add3A_65 : i32 to index
          %get3A_128 = arith.constant 80 : index
          %get3A_129 = tpu.vector_load %arg17[%get3A_127, %get3A_128] {strides = array<i32>} : memref<128x128xf32, #tpu.memory_space<vmem>>, vector<16xf32>,
          %get3A_130 = arith.index_cast %add3A_65 : i32 to index
          %get3A_131 = arith.constant 16 : index
          %get3A_132 = tpu.vector_load %arg17[%get3A_130, %get3A_131] {strides = array<i32>} : memref<128x128xf32, #tpu.memory_space<vmem>>, vector<16xf32>,
          %select_n3A_133 = arith.select %ne3A_74, %get3A_129, %get3A_132 : vector<16xi1>, vector<16xf32>
          %get3A_134 = arith.index_cast %add3A_65 : i32 to index
          %get3A_135 = arith.constant 80 : index
          %get3A_136 = tpu.vector_load %arg18[%get3A_134, %get3A_135] {strides = array<i32>} : memref<128x128xf32, #tpu.memory_space<vmem>>, vector<16xf32>,
          %get3A_137 = arith.index_cast %add3A_65 : i32 to index
          %get3A_138 = arith.constant 16 : index
          %get3A_139 = tpu.vector_load %arg18[%get3A_137, %get3A_138] {strides = array<i32>} : memref<128x128xf32, #tpu.memory_space<vmem>>, vector<16xf32>,
          %select_n3A_140 = arith.select %ne3A_87, %get3A_136, %get3A_139 : vector<16xi1>, vector<16xf32>
          %get3A_141 = arith.index_cast %add3A_65 : i32 to index
          %get3A_142 = arith.constant 80 : index
          %get3A_143 = tpu.vector_load %arg19[%get3A_141, %get3A_142] {strides = array<i32>} : memref<128x128xf32, #tpu.memory_space<vmem>>, vector<16xf32>,
          %get3A_144 = arith.index_cast %add3A_65 : i32 to index
          %get3A_145 = arith.constant 16 : index
          %get3A_146 = tpu.vector_load %arg19[%get3A_144, %get3A_145] {strides = array<i32>} : memref<128x128xf32, #tpu.memory_space<vmem>>, vector<16xf32>,
          %select_n3A_147 = arith.select %ne3A_100, %get3A_143, %get3A_146 : vector<16xi1>, vector<16xf32>
          %add3A_148 = arith.addf %select_n3A_133, %select_n3A_140 : vector<16xf32>
          %sub3A_149 = arith.subf %add3A_148, %select_n3A_147 : vector<16xf32>
          %abs3A_150 = math.absf %sub3A_149 : vector<16xf32>
          %add3A_151 = arith.addf %add3A_126, %abs3A_150 : vector<16xf32>
          %get3A_152 = arith.index_cast %add3A_65 : i32 to index
          %get3A_153 = arith.constant 96 : index
          %get3A_154 = tpu.vector_load %arg17[%get3A_152, %get3A_153] {strides = array<i32>} : memref<128x128xf32, #tpu.memory_space<vmem>>, vector<16xf32>,
          %get3A_155 = arith.index_cast %add3A_65 : i32 to index
          %get3A_156 = arith.constant 32 : index
          %get3A_157 = tpu.vector_load %arg17[%get3A_155, %get3A_156] {strides = array<i32>} : memref<128x128xf32, #tpu.memory_space<vmem>>, vector<16xf32>,
          %select_n3A_158 = arith.select %ne3A_74, %get3A_154, %get3A_157 : vector<16xi1>, vector<16xf32>
          %get3A_159 = arith.index_cast %add3A_65 : i32 to index
          %get3A_160 = arith.constant 96 : index
          %get3A_161 = tpu.vector_load %arg18[%get3A_159, %get3A_160] {strides = array<i32>} : memref<128x128xf32, #tpu.memory_space<vmem>>, vector<16xf32>,
          %get3A_162 = arith.index_cast %add3A_65 : i32 to index
          %get3A_163 = arith.constant 32 : index
          %get3A_164 = tpu.vector_load %arg18[%get3A_162, %get3A_163] {strides = array<i32>} : memref<128x128xf32, #tpu.memory_space<vmem>>, vector<16xf32>,
          %select_n3A_165 = arith.select %ne3A_87, %get3A_161, %get3A_164 : vector<16xi1>, vector<16xf32>
          %get3A_166 = arith.index_cast %add3A_65 : i32 to index
          %get3A_167 = arith.constant 96 : index
          %get3A_168 = tpu.vector_load %arg19[%get3A_166, %get3A_167] {strides = array<i32>} : memref<128x128xf32, #tpu.memory_space<vmem>>, vector<16xf32>,
          %get3A_169 = arith.index_cast %add3A_65 : i32 to index
          %get3A_170 = arith.constant 32 : index
          %get3A_171 = tpu.vector_load %arg19[%get3A_169, %get3A_170] {strides = array<i32>} : memref<128x128xf32, #tpu.memory_space<vmem>>, vector<16xf32>,
          %select_n3A_172 = arith.select %ne3A_100, %get3A_168, %get3A_171 : vector<16xi1>, vector<16xf32>
          %add3A_173 = arith.addf %select_n3A_158, %select_n3A_165 : vector<16xf32>
          %sub3A_174 = arith.subf %add3A_173, %select_n3A_172 : vector<16xf32>
          %abs3A_175 = math.absf %sub3A_174 : vector<16xf32>
          %add3A_176 = arith.addf %add3A_151, %abs3A_175 : vector<16xf32>
          %get3A_177 = arith.index_cast %add3A_65 : i32 to index
          %get3A_178 = arith.constant 112 : index
          %get3A_179 = tpu.vector_load %arg17[%get3A_177, %get3A_178] {strides = array<i32>} : memref<128x128xf32, #tpu.memory_space<vmem>>, vector<16xf32>,
          %get3A_180 = arith.index_cast %add3A_65 : i32 to index
          %get3A_181 = arith.constant 48 : index
          %get3A_182 = tpu.vector_load %arg17[%get3A_180, %get3A_181] {strides = array<i32>} : memref<128x128xf32, #tpu.memory_space<vmem>>, vector<16xf32>,
          %select_n3A_183 = arith.select %ne3A_74, %get3A_179, %get3A_182 : vector<16xi1>, vector<16xf32>
          %get3A_184 = arith.index_cast %add3A_65 : i32 to index
          %get3A_185 = arith.constant 112 : index
          %get3A_186 = tpu.vector_load %arg18[%get3A_184, %get3A_185] {strides = array<i32>} : memref<128x128xf32, #tpu.memory_space<vmem>>, vector<16xf32>,
          %get3A_187 = arith.index_cast %add3A_65 : i32 to index
          %get3A_188 = arith.constant 48 : index
          %get3A_189 = tpu.vector_load %arg18[%get3A_187, %get3A_188] {strides = array<i32>} : memref<128x128xf32, #tpu.memory_space<vmem>>, vector<16xf32>,
          %select_n3A_190 = arith.select %ne3A_87, %get3A_186, %get3A_189 : vector<16xi1>, vector<16xf32>
          %get3A_191 = arith.index_cast %add3A_65 : i32 to index
          %get3A_192 = arith.constant 112 : index
          %get3A_193 = tpu.vector_load %arg19[%get3A_191, %get3A_192] {strides = array<i32>} : memref<128x128xf32, #tpu.memory_space<vmem>>, vector<16xf32>,
          %get3A_194 = arith.index_cast %add3A_65 : i32 to index
          %get3A_195 = arith.constant 48 : index
          %get3A_196 = tpu.vector_load %arg19[%get3A_194, %get3A_195] {strides = array<i32>} : memref<128x128xf32, #tpu.memory_space<vmem>>, vector<16xf32>,
          %select_n3A_197 = arith.select %ne3A_100, %get3A_193, %get3A_196 : vector<16xi1>, vector<16xf32>
          %add3A_198 = arith.addf %select_n3A_183, %select_n3A_190 : vector<16xf32>
          %sub3A_199 = arith.subf %add3A_198, %select_n3A_197 : vector<16xf32>
          %abs3A_200 = math.absf %sub3A_199 : vector<16xf32>
          %add3A_201 = arith.addf %add3A_176, %abs3A_200 : vector<16xf32>
          %reduce_sum3A = arith.constant true
          %reduce_sum3A_202 = vector.broadcast %reduce_sum3A : i1 to vector<16xi1>
          %reduce_sum3A_203 = tpu.scan <sum>, %add3A_201 masked %reduce_sum3A_202 : vector<16xf32>, vector<16xi1> -> vector<16xf32>
          %reduce_sum3A_204 = vector.extract %reduce_sum3A_203[15] : f32 from vector<16xf32>
          %eq3A = vector.broadcast %scan3A_61 : i32 to vector<16xi32>
          %eq3A_205 = arith.cmpi eq, %iota3A, %eq3A : vector<16xi32>
          %broadcast_in_dim3A_206 = vector.broadcast %reduce_sum3A_204 : f32 to vector<16xf32>
          %select_n3A_207 = arith.select %eq3A_205, %broadcast_in_dim3A_206, %scan3A_62 : vector<16xi1>, vector<16xf32>
          scf.yield %select_n3A_207 : vector<16xf32>
        }
        %scan3A_52 = arith.constant 16 : i32
        %sub3A = arith.constant 1.200000e+01 : f32
        %sub3A_53 = vector.broadcast %sub3A : f32 to vector<16xf32>
        %sub3A_54 = arith.subf %sub3A_53, %scan3A_51 : vector<16xf32>
        %mul3A_55 = arith.constant 128 : i32
        %mul3A_56 = arith.muli %scan3A_8, %mul3A_55 : i32
        %mul3A_57 = arith.constant 16 : i32
        %mul3A_58 = arith.muli %scan3A_34, %mul3A_57 : i32
        %add3A_59 = arith.addi %mul3A_56, %mul3A_58 : i32
        %swap3A = arith.index_cast %add3A_59 : i32 to index
        %swap3A_60 = tpu.vector_load %arg20[%swap3A] {strides = array<i32>} : memref<512xf32, #tpu.memory_space<vmem>>, vector<16xf32>,
        tpu.vector_store %arg20[%swap3A], %sub3A_54 {strides = array<i32>} : memref<512xf32, #tpu.memory_space<vmem>>, vector<16xf32>,
      }
      %scan3A_33 = arith.constant 8 : i32
    }
    %scan3A_7 = arith.constant 4 : i32
    "tpu.region"() ({
      %run_scoped3A = tpu.sem_alloc : memref<!tpu.dma_semaphore, #tpu.memory_space<semaphore_mem>>
      %dma_start3A = tpu.memref_slice %arg10[%mul3A_2] : memref<16384xf32, #tpu.memory_space<hbm>> -> memref<512xf32, #tpu.memory_space<hbm>>
      %dma_start3A_8 = tpu.memref_slice %arg10[%mul3A_2] : memref<16384xf32, #tpu.memory_space<hbm>> -> memref<512xf32, #tpu.memory_space<hbm>>
      tpu.enqueue_dma source(%arg20 : memref<512xf32, #tpu.memory_space<vmem>>) target(%dma_start3A_8 : memref<512xf32, #tpu.memory_space<hbm>>) target_semaphore(%run_scoped3A : memref<!tpu.dma_semaphore, #tpu.memory_space<semaphore_mem>>)
      %dma_wait3A = tpu.memref_slice %arg10[%mul3A_2] : memref<16384xf32, #tpu.memory_space<hbm>> -> memref<512xf32, #tpu.memory_space<hbm>>
      %dma_wait3A_9 = tpu.memref_slice %arg10[%mul3A_2] : memref<16384xf32, #tpu.memory_space<hbm>> -> memref<512xf32, #tpu.memory_space<hbm>>
      tpu.wait_dma2 semaphore(%run_scoped3A : memref<!tpu.dma_semaphore, #tpu.memory_space<semaphore_mem>>) src(%arg20 : memref<512xf32, #tpu.memory_space<vmem>>) dst(%dma_wait3A_9 : memref<512xf32, #tpu.memory_space<hbm>>)
      tpu.yield
    }) : () -> ()
    return
  }
}

</mosaic_0001>

<sc_bundles>
// kernel: _score.3.cloned.1.call-start
scs
__scs_entry_jumppad:
0x0: {  	(pc) =	sbr.rel $0x88, $3  }
0x1: {  	(tag) =	ssettag $0x0;
	lr =	simm.s32 $0x1  }
0x2: {  	[smem:$0x3F99] =	sst lr;
	_ =	strace $0xD0000000  }
0x3: {  	_ = 	snop  }
0x4: {  	_ = 	snop  }
0x5: {  	_ = 	snop  }
0x6: {  	_ = 	snop  }
0x7: {  	_ = 	snop  }
__scs_overlays_trampoline_lowered:
0x8: {  	[smem:$0x3FA8] =	sst s0  }
0x9: {  	[smem:$0x3FA9] =	sst s1  }
0xa: {  	[smem:$0x3FAA] =	sst s2  }
0xb: {  	[smem:$0x3FAB] =	sst s3  }
0xc: {  	[smem:$0x3FAC] =	sst s4  }
0xd: {  	[smem:$0x3FAD] =	sst s5  }
0xe: {  	[smem:$0x3FAE] =	sst s6  }
0xf: {  	[smem:$0x3FAF] =	sst s7  }
0x10: {  	[smem:$0x3FB0] =	sst s8  }
0x11: {  	[smem:$0x3FB1] =	sst s9;
	s0 =	simm.s32 @!p0 $0x0  }
0x12: {  	s1 =	sld [smem:$0x3F97];
	s0 =	simm.s32 @p0 $0x1  }
0x13: {  	[smem:$0x3FB2] =	sst s0;
	s0 =	simm.s32 @!p1 $0x0  }
0x14: {  	s2 =	sld [smem:$0x3F96];
	s0 =	simm.s32 @p1 $0x1  }
0x15: {  	[smem:$0x3FB3] =	sst s0;
	s0 =	simm.s32 @!p2 $0x0  }
0x16: {  	s3 =	sld [smem:$0x3FDB];
	s0 =	simm.s32 @p2 $0x1  }
0x17: {  	s4 =	simm.s32 $0x1BF5;
	[smem:$0x3FB5] =	sst s0  }
0x18: {  	s0 =	sld [smem:$0x3F98];
	_ =	swait.ge [sflag:s4], $0x0  }
0x19: {  	s7 =	sld [smem:$0x3F99]  }
0x1a: {  	s8 =	sadd.s32 $0xFFFFE003, lr  }
0x1b: {  	s9 =	sadd.s32 $0xFFFFFEF7, lr;
	s5 =	simm.s32 $0xFFFFFFFF;
	p2 =	slt.u32 s8, $0xFFFFF086  }
0x1c: {  	p1 =	slt.u32 s9, $0xF7A;
	s5 =	simm.s32 @!p2 $0x0  }
0x1d: {  	s5 =	simm.s32 @p1 $0x1;
	p0 =	seq.s32 s7, s2  }
0x1e: {  	s7 =	smul.u32 @!p0 $0xF7A, s2;
	p2 =	seq.s32 @!p0 s5, $0x0  }
0x1f: {  	s9 =	smul.u32 $0xF7A, s1;
	s8 =	simm.s32 @!p0 $0x1BF5;
	p2 =	por !p2, p0  }
0x20: {  	[sflag:s8] =	ssyncset.s32 @!p0 $0xFFFFF086;
	s6 =	sadd.s32 @!p0 s3, s7;
	s7 =	simm.s32 @!p0 $0x108  }
0x21: {  	s3 =	sadd.s32 s3, s9;
	s6 =	sadd.s32 @!p0 $0x88, s6;
	s7 =	simm.s32 @p2 $0x1082  }
0x22: {  	[simem:s7], [sflag:s8] =	dma.local @!p0 [hbm:s6], $0xF7A  }
0x23: {  	s9 =	sor.u32 $0xD0000000, s2;
	s6 =	simm.s32 $0x108;
	_ =	swait.ge @!p0 [sflag:s8], $0x0  }
0x24: {  	s3 =	sadd.s32 $0x88, s3;
	s6 =	simm.s32 @!p1 $0x1082;
	[sflag:s4] =	ssyncset.s32 $0xFFFFF086  }
0x25: {  	[simem:s6], [sflag:s4] =	dma.local [hbm:s3], $0xF7A  }
0x26: {  	[smem:$0x3F99] =	sst s1;
	(tag) =	ssettag s2;
	_ =	strace s9  }
0x27: {  	s1 =	sld [smem:$0x3FA9]  }
0x28: {  	s2 =	sld [smem:$0x3FAA]  }
0x29: {  	s4 =	sld [smem:$0x3FAC]  }
0x2a: {  	p0 =	seq.s32 s5, $0x0;
	s5 =	sld [smem:$0x3FAD]  }
0x2b: {  	s6 =	sld [smem:$0x3FAE]  }
0x2c: {  	s7 =	sld [smem:$0x3FAF]  }
0x2d: {  	s3 =	simm.s32 $0x108;
	s8 =	sld [smem:$0x3FB0]  }
0x2e: {  	s3 =	simm.s32 @!p0 $0x1082;
	s9 =	sld [smem:$0x3FB1]  }
0x2f: {  	lr =	sadd.s32 s0, s3;
	s0 =	sld [smem:$0x3FA8]  }
0x30: {  	s3 =	sld [smem:$0x3FAB]  }
0x31: {  	[smem:$0x3FB4] =	sst s10  }
0x32: {  	s10 =	sld [smem:$0x3FB2];
	_ =	sdelay $0x3  }
0x33: {  	p0 =	seq.s32 s10, $0x1;
	s10 =	sld [smem:$0x3FB4];
	_ =	sdelay $0x3  }
0x34: {  	[smem:$0x3FB4] =	sst s10  }
0x35: {  	s10 =	sld [smem:$0x3FB3];
	_ =	sdelay $0x3  }
0x36: {  	p1 =	seq.s32 s10, $0x1;
	s10 =	sld [smem:$0x3FB4];
	_ =	sdelay $0x3  }
0x37: {  	[smem:$0x3FB4] =	sst s10  }
0x38: {  	s10 =	sld [smem:$0x3FB5]  }
0x39: {  	_ = 	snop;
	(pc) =	sbr.ind lr, $3  }
0x3a: {  	_ = 	snop  }
0x3b: {  	_ = 	snop  }
0x3c: {  	p2 =	seq.s32 s10, $0x1;
	s10 =	sld [smem:$0x3FB4]  }
0x3d: {  	_ =	shalt  }
0x3e: {  	_ =	shalt  }
0x3f: {  	_ =	shalt  }
0x40: {  	_ =	shalt  }
0x41: {  	_ =	shalt  }
0x42: {  	_ =	shalt  }
0x43: {  	_ =	shalt  }
0x44: {  	_ =	shalt  }
0x45: {  	_ =	shalt  }
0x46: {  	_ =	shalt  }
0x47: {  	_ =	shalt  }
0x48: {  	_ =	shalt  }
0x49: {  	_ =	shalt  }
0x4a: {  	_ =	shalt  }
0x4b: {  	_ =	shalt  }
0x4c: {  	_ =	shalt  }
0x4d: {  	_ =	shalt  }
0x4e: {  	_ =	shalt  }
0x4f: {  	_ =	shalt  }
0x50: {  	_ =	shalt  }
0x51: {  	_ =	shalt  }
0x52: {  	_ =	shalt  }
0x53: {  	_ =	shalt  }
0x54: {  	_ =	shalt  }
0x55: {  	_ =	shalt  }
0x56: {  	_ =	shalt  }
0x57: {  	_ =	shalt  }
0x58: {  	_ =	shalt  }
0x59: {  	_ =	shalt  }
0x5a: {  	_ =	shalt  }
0x5b: {  	_ =	shalt  }
0x5c: {  	_ =	shalt  }
0x5d: {  	_ =	shalt  }
0x5e: {  	_ =	shalt  }
0x5f: {  	_ =	shalt  }
0x60: {  	_ =	shalt  }
0x61: {  	_ =	shalt  }
0x62: {  	_ =	shalt  }
0x63: {  	_ =	shalt  }
0x64: {  	_ =	shalt  }
0x65: {  	_ =	shalt  }
0x66: {  	_ =	shalt  }
0x67: {  	_ =	shalt  }
0x68: {  	_ =	shalt  }
0x69: {  	_ =	shalt  }
0x6a: {  	_ =	shalt  }
0x6b: {  	_ =	shalt  }
0x6c: {  	_ =	shalt  }
0x6d: {  	_ =	shalt  }
0x6e: {  	_ =	shalt  }
0x6f: {  	_ =	shalt  }
0x70: {  	_ =	shalt  }
0x71: {  	_ =	shalt  }
0x72: {  	_ =	shalt  }
0x73: {  	_ =	shalt  }
0x74: {  	_ =	shalt  }
0x75: {  	_ =	shalt  }
0x76: {  	_ =	shalt  }
0x77: {  	_ =	shalt  }
0x78: {  	_ =	shalt  }
0x79: {  	_ =	shalt  }
0x7a: {  	_ =	shalt  }
0x7b: {  	_ =	shalt  }
0x7c: {  	_ =	shalt  }
0x7d: {  	_ =	shalt  }
0x7e: {  	_ =	shalt  }
0x7f: {  	_ =	shalt  }
0x80: {  	_ =	shalt  }
0x81: {  	_ =	shalt  }
0x82: {  	_ =	shalt  }
0x83: {  	_ =	shalt  }
0x84: {  	_ =	shalt  }
0x85: {  	_ =	shalt  }
0x86: {  	_ =	shalt  }
0x87: {  	_ =	shalt  }
.Lfunc_end0:
.L_simem_size_0:
called_computation_lowered:
.L_overlay_start_0:
0x88: {  	s2 =	sld [smem:$0x3FD9]  }
0x89: {  	s3 =	sld [smem:$0x3FFE];
	_ =	sdelay $0x1  }
0x8a: {  	s1 =	srdreg.scid  }
0x8b: {  	s0 =	sand.u32 $0x1, s1  }
0x8c: {  	s18 =	sshll.u32 s0, $0xA;
	s2 =	sadd.s32 s3, s2  }
0x8d: {  	s2 =	sadd.s32 s2, s18  }
0x8e: {  	[smem:$0x3FC0] =	sst s2  }
0x8f: {  	_ = 	snop  }
0x90: {  	s2 =	sld [smem:$0x3FC9]  }
0x91: {  	s19 =	sld [smem:$0x3FC8]  }
0x92: {  	s4 =	sld [smem:$0x3FC7]  }
0x93: {  	s5 =	sld [smem:$0x3FC6]  }
0x94: {  	s6 =	sld [smem:$0x3FC5]  }
0x95: {  	s7 =	sld [smem:$0x3FC4]  }
0x96: {  	s8 =	sld [smem:$0x3FC3]  }
0x97: {  	s9 =	sld [smem:$0x3FC2]  }
0x98: {  	s10 =	sld [smem:$0x3FD0];
	(tm) =	ssettm $0x1  }
0x99: {  	s11 =	sld [smem:$0x3FFB];
	_ =	sdelay $0x3  }
0x9a: {  	_ =	strace s11  }
0x9b: {  	s11 =	sld [smem:$0x3FFC];
	_ =	sdelay $0x3  }
0x9c: {  	_ =	strace s11  }
0x9d: {  	s11 =	sld [smem:$0x3FFD];
	_ =	sdelay $0x3  }
0x9e: {  	_ =	strace s11  }
0x9f: {  	_ =	strace $0x8FFFFFFF  }
0xa0: {  	s20 =	sld [smem:$0x3FDB];
	_ =	sdelay $0x1  }
0xa1: {  	s12 =	simm.s32 $_scs_section_size  }
0xa2: {  	s13 =	simm.s32 $_size__tile_overlayer_lowered;
	s14 =	simm.s32 $_tile_overlayer_lowered  }
0xa3: {  	s23 =	simm.s32 $0x1BFF;
	s22 =	sshll.u32 s14, $0x1;
	s11 =	sadd.s32 s12, s20  }
0xa4: {  	s15 =	simm.s32 $0x0;
	s21 =	sshll.u32 s13, $0x1;
	s13 =	sadd.s32 s22, s11  }
0xa5: {  	[timem:s15], [sflag:s23] =	dma.local [hbm:s13], s21  }
0xa6: {  	_ =	swait.ge [sflag:s23], s21  }
0xa7: {  	s12 =	ssub.s32 $0x0, s21;
	[sflag:s23] =	ssyncset.done $0x0  }
0xa8: {  	[sflag:s23] =	ssyncadd.s32 s12;
	_ =	sdelay $0x1  }
0xa9: {  	s24 =	simm.s32 $0x1B8B  }
0xaa: {  	_ =	swait.ge [sflag:s24], $0x1  }
0xab: {  	[sflag:s24] =	ssyncset.done $0x0  }
0xac: {  	s25 =	simm.s32 $0x1B8E;
	[sflag:s24] =	ssyncadd.s32 $0xFFFFFFFF  }
0xad: {  	s26 =	simm.s32 $execute0_lowered;
	[smem:$0x3FD2] =	sst s25  }
0xae: {  	s12 =	sshll.u32 s26, $0x1;
	_ =	strace $0x80000046;
	[dreg:$0x1] =	wrdreg $0xFFFFFFFF  }
0xaf: {  	s28 =	simm.s32 $_size_execute0_lowered;
	s11 =	sadd.s32 s11, s12;
	[dreg:$0x0] =	wrdreg $0x0  }
0xb0: {  	s12 =	sshll.u32 s28, $0x1;
	[dreg:$0x2] =	wrdreg s11  }
0xb1: {  	[dreg:$0x3] =	wrdreg s12  }
0xb2: {  	[dreg:$0x4] =	wrdreg $0xC0  }
0xb3: {  	_ =	task [dreg:s15], $0x5FFFF  }
0xb4: {  	[dreg:$0x1] =	wrdreg $0xFFFFFFFF  }
0xb5: {  	[dreg:$0x0] =	wrdreg $0x60  }
0xb6: {  	[dreg:$0x2] =	wrdreg s2  }
0xb7: {  	[dreg:$0x3] =	wrdreg s19  }
0xb8: {  	[dreg:$0x4] =	wrdreg s4  }
0xb9: {  	[dreg:$0x5] =	wrdreg s5  }
0xba: {  	[dreg:$0x6] =	wrdreg s6  }
0xbb: {  	[dreg:$0x7] =	wrdreg s7  }
0xbc: {  	[dreg:$0x8] =	wrdreg s8  }
0xbd: {  	[dreg:$0x9] =	wrdreg s9  }
0xbe: {  	[dreg:$0xa] =	wrdreg s10  }
0xbf: {  	[dreg:$0xb] =	wrdreg $0x9  }
0xc0: {  	_ =	task.clear_ibuf [dreg:s15], $0xCFFFF;
	_ =	strace $0x90000046  }
0xc1: {  	s29 =	simm.s32 $0x9;
	_ =	strace $0x80000048  }
0xc2: {  	_ =	swait.ge [sflag:s29], $0x1  }
0xc3: {  	[sflag:s29] =	ssyncadd.s32 $0xFFFFFFFF  }
0xc4: {  	_ =	strace $0x90000048  }
0xc5: {  	_ =	sfence  }
0xc6: {  	s30 =	sld [smem:$0x0];
	_ =	sdelay $0x2  }
0xc7: {  	s31 =	sshll.u32 s1, $0xD;
	s1 =	sshrl.u32 s1, $0x2  }
0xc8: {  	s3 =	sand.u32 $0x4000, s31;
	s1 =	sadd.s32 s1, s30  }
0xc9: {  	s0 =	sor.u32 s3, s0;
	s1 =	sshll.u32 s1, $0x11  }
0xca: {  	s0 =	sor.u32 s1, s0  }
0xcb: {  	s0 =	sadd.s32 $0x8F2B, s0  }
0xcc: {  	[sflag:s0] =	ssyncadd.remote.s32 $0x1  }
0xcd: {  	_ =	sfence.sel $0xFFFF  }
0xce: {  	[dreg:$0x0] =	wrdreg $0xFFFFFFFF;
	(pc) =	sbr.abs _section_cstart, $3  }
0xcf: {  	[dreg:$0x1] =	wrdreg $0xFFFFFFFF  }
0xd0: {  	_ =	task.clear_ibuf [dreg:s15], $0x2FFFF;
	_ =	strace $0x9FFFFFFF  }
0xd1: {  	(tm) =	ssettm $0x7FFFFFFF  }
tec
execute0_lowered:
.L_overlay_start_1:
0x0: {  	(tag) =	ssettag $0x1  }
0x1: {  	s0 =	rddreg [dreg:$0x0]  }
0x2: {  	s1 =	rddreg [dreg:$0x1]  }
0x3: {  	s2 =	rddreg [dreg:$0x2]  }
0x4: {  	s3 =	rddreg [dreg:$0x3]  }
0x5: {  	s5 =	rddreg [dreg:$0x4]  }
0x6: {  	s6 =	rddreg [dreg:$0x5]  }
0x7: {  	s7 =	rddreg [dreg:$0x6]  }
0x8: {  	s9 =	rddreg [dreg:$0x7]  }
0x9: {  	s4 =	rddreg [dreg:$0x8]  }
0xa: {  	s8 =	srdreg.scid;
	s11 =	stileid.u32  }
0xb: {  	s13 =	simm.s32 $0x0;
	s14 =	simm.s32 $0x2;
	s15 =	simm.s32 $0x80  }
0xc: {  	s16 =	simm.s32 $0x100;
	s17 =	simm.s32 $0x180;
	s18 =	simm.s32 $0x200  }
0xd: {  	s19 =	simm.s32 $0x280;
	s20 =	simm.s32 $0x300;
	s8 =	sand.u32 $0x1, s8  }
0xe: {  	s11 =	sshll.u32 s11, $0xA;
	s10 =	ssub.s32 $0x2, s8;
	s8 =	sshll.u32 s8, $0x9  }
0xf: {  	s21 =	simm.s32 $0x4300;
	s22 =	simm.s32 $0x8300;
	s11 =	sor.u32 s8, s11  }
0x10: {  	s23 =	simm.s32 $0x1;
	s12 =	sshrl.u32 s10, $0x1;
	s30 =	sshrl.u32 s11, $0x3  }
0x11: {  	[smem:$0x7FF] =	sst s13;
	s29 =	ssub.s32 s10, s12;
	s4 =	sadd.s32 s4, s30  }
0x12: {  	_ =	strace $0x80000047;
	s31 =	smax.u32 s29, $0x1;
	[dreg:$0xa] =	wrdreg s4  }
0x13: {  	v0 =	vlaneseq.u32;
	s25 =	simm.s32 $0x0;
	s28 =	simm.s32 $0x0;
	[dreg:$0xb] =	wrdreg s31  }
.LBB2_1:
0x14: {  	s26 =	simm.s32 $0x0  }
.LBB2_2:
0x15: {  	s4 =	sshll.u32 s26, $0x7  }
0x16: {  	s8 =	sor.u32 s11, s4  }
0x17: {  	s8 =	sshrl.u32 s8, $0x3  }
0x18: {  	s10 =	sadd.s32 s2, s8  }
0x19: {  	[tilespmem:s28], [sflag:$0x2] =	stream.linear.gather [hbm4b:s10+s28], $0x80, $0x38;
	[tilespmem:$0xC500] =	vst v63  }
0x1a: {  	_ =	swait.ge [sflag:s14], $0x80  }
0x1b: {  	[sflag:s14] =	ssyncset.done $0x0  }
0x1c: {  	s24 =	sadd.s32 s3, s8;
	[sflag:s14] =	ssyncadd.s32 $0xFFFFFF80  }
0x1d: {  	[tilespmem:s15], [sflag:$0x2] =	stream.linear.gather [hbm4b:s24+s28], $0x80, $0x38;
	[tilespmem:$0xC500] =	vst v63  }
0x1e: {  	_ =	swait.ge [sflag:s14], $0x80  }
0x1f: {  	[sflag:s14] =	ssyncset.done $0x0  }
0x20: {  	s12 =	sadd.s32 s5, s8;
	[sflag:s14] =	ssyncadd.s32 $0xFFFFFF80  }
0x21: {  	[tilespmem:s16], [sflag:$0x2] =	stream.linear.gather [hbm4b:s12+s28], $0x80, $0x38;
	[tilespmem:$0xC500] =	vst v63  }
0x22: {  	_ =	swait.ge [sflag:s14], $0x80  }
0x23: {  	[sflag:s14] =	ssyncset.done $0x0  }
0x24: {  	s13 =	sadd.s32 s6, s8;
	[sflag:s14] =	ssyncadd.s32 $0xFFFFFF80  }
0x25: {  	[tilespmem:s17], [sflag:$0x2] =	stream.linear.gather [hbm4b:s13+s28], $0x80, $0x38;
	[tilespmem:$0xC500] =	vst v63  }
0x26: {  	_ =	swait.ge [sflag:s14], $0x80  }
0x27: {  	[sflag:s14] =	ssyncset.done $0x0  }
0x28: {  	s24 =	sadd.s32 s7, s8;
	[sflag:s14] =	ssyncadd.s32 $0xFFFFFF80  }
0x29: {  	[tilespmem:s18], [sflag:$0x2] =	stream.linear.gather [hbm4b:s24+s28], $0x80, $0x38;
	[tilespmem:$0xC500] =	vst v63  }
0x2a: {  	_ =	swait.ge [sflag:s14], $0x80  }
0x2b: {  	[sflag:s14] =	ssyncset.done $0x0  }
0x2c: {  	s8 =	sadd.s32 s9, s8;
	[sflag:s14] =	ssyncadd.s32 $0xFFFFFF80  }
0x2d: {  	[tilespmem:s19], [sflag:$0x2] =	stream.linear.gather [hbm4b:s8+s28], $0x80, $0x38;
	[tilespmem:$0xC500] =	vst v63  }
0x2e: {  	_ =	swait.ge [sflag:s14], $0x80  }
0x2f: {  	[sflag:s14] =	ssyncset.done $0x0  }
0x30: {  	[sflag:s14] =	ssyncadd.s32 $0xFFFFFF80  }
0x31: {  	[tilespmem:s20], [sflag:$0x1] =	stream.indirect.gather [hbm4b:s0+s15], $0x80, s28, s15, $0xb8;
	[tilespmem:$0xC500] =	vst v63  }
0x32: {  	_ = 	snop  }
0x33: {  	[tilespmem:s21], [sflag:$0x1] =	stream.indirect.gather [hbm4b:s1+s15], $0x80, s15, s15, $0xb8;
	[tilespmem:$0xC500] =	vst v63  }
0x34: {  	_ = 	snop  }
0x35: {  	[tilespmem:s22], [sflag:$0x1] =	stream.indirect.gather [hbm4b:s0+s15], $0x80, s16, s15, $0xb8;
	[tilespmem:$0xC500] =	vst v63  }
0x36: {  	_ =	swait.ge [sflag:s23], $0x4000  }
0x37: {  	[sflag:s23] =	ssyncset.done $0x0  }
0x38: {  	[sflag:s23] =	ssyncadd.s32 $0xFFFFC000  }
0x39: {  	_ =	swait.ge [sflag:s23], $0x4000  }
0x3a: {  	[sflag:s23] =	ssyncset.done $0x0  }
0x3b: {  	[sflag:s23] =	ssyncadd.s32 $0xFFFFC000  }
0x3c: {  	s29 =	simm.s32 $0x8340;
	_ =	swait.ge [sflag:s23], $0x4000  }
0x3d: {  	s30 =	simm.s32 $0x4340;
	s4 =	sadd.s32 $0xC300, s4;
	[sflag:s23] =	ssyncset.done $0x0  }
0x3e: {  	s31 =	simm.s32 $0x340;
	v1 =	vmov s4;
	s4 =	simm.s32 $0x0;
	[sflag:s23] =	ssyncadd.s32 $0xFFFFC000  }
.LBB2_3:
0x3f: {  	v8 =	vld [tilespmem:s29+$0x20]  }
0x40: {  	v7 =	vld [tilespmem:s31+$0x30]  }
0x41: {  	v9 =	vld [tilespmem:s31+$0xFFFFFFF0]  }
0x42: {  	v13 =	vld [tilespmem:s30+$0x30]  }
0x43: {  	v15 =	vld [tilespmem:s29+$0x0]  }
0x44: {  	v16 =	vld [tilespmem:s29+$0xFFFFFFC0]  }
0x45: {  	v11 =	vld [tilespmem:s31+$0x20]  }
0x46: {  	v14 =	vld [tilespmem:s31+$0xFFFFFFE0]  }
0x47: {  	v17 =	vld [tilespmem:s30+$0x20]  }
0x48: {  	v18 =	vld [tilespmem:s30+$0xFFFFFFE0]  }
0x49: {  	v19 =	vld [tilespmem:s31+$0x0]  }
0x4a: {  	v20 =	vld [tilespmem:s31+$0xFFFFFFC0]  }
0x4b: {  	v21 =	vld [tilespmem:s30+$0x0]  }
0x4c: {  	v22 =	vld [tilespmem:s30+$0xFFFFFFC0]  }
0x4d: {  	s8 =	sshll.u32 s4, $0x4;
	v23 =	vld [tilespmem:s31+$0x10]  }
0x4e: {  	v4 =	vld [tilespmem:s8+$0x180]  }
0x4f: {  	v3 =	vld [tilespmem:s8+$0x200]  }
0x50: {  	v24 =	vld [tilespmem:s31+$0xFFFFFFD0]  }
0x51: {  	v25 =	vld [tilespmem:s30+$0x10]  }
0x52: {  	v2 =	vmov s28;
	v5 =	vld [tilespmem:s8+$0x280]  }
0x53: {  	v26 =	vld [tilespmem:s30+$0xFFFFFFD0];
	v12 =	vperm.xlane v4, v2  }
0x54: {  	v27 =	vld [tilespmem:s29+$0x10];
	v33 =	vperm.xlane v3, v2  }
0x55: {  	v28 =	vld [tilespmem:s29+$0xFFFFFFD0];
	vm0 =	veq.s32 v12, $0x0  }
0x56: {  	v30 =	vld [tilespmem:s29+$0xFFFFFFE0];
	vm1 =	veq.s32 v33, $0x0;
	v63 =	vsel vm0, v14, v11  }
0x57: {  	v29 =	vld [tilespmem:s30+$0xFFFFFFF0];
	v14 =	vsel vm0, v20, v19;
	v19 =	vperm.xlane v5, v2;
	v17 =	vsel vm1, v18, v17  }
0x58: {  	v31 =	vld [tilespmem:s29+$0x30];
	v18 =	vsel vm1, v22, v21;
	v20 =	vsel vm0, v24, v23;
	v21 =	vsel vm1, v26, v25  }
0x59: {  	v32 =	vld [tilespmem:s29+$0xFFFFFFF0];
	s10 =	sadd.s32 $0x80, s29;
	v18 =	vadd.f32 v18, v14;
	vm15 =	veq.s32 v19, $0x0;
	v19 =	vadd.f32 v21, v20  }
0x5a: {  	s12 =	sadd.s32 $0x80, s31;
	v6 =	vld [tilespmem:s10+$0x20];
	v17 =	vadd.f32 v17, v63;
	v15 =	vsel vm15, v16, v15;
	v20 =	vsel vm15, v28, v27  }
0x5b: {  	v10 =	vld [tilespmem:s12+$0x30];
	v8 =	vsel vm15, v30, v8;
	v18 =	vsub.f32 v18, v15;
	v19 =	vsub.f32 v19, v20  }
0x5c: {  	s24 =	sadd.s32 $0x80, s30;
	v12 =	vld [tilespmem:s12+$0xFFFFFFF0];
	v34 =	vsel vm0, v9, v7;
	v15 =	vsel vm1, v29, v13;
	v8 =	vsub.f32 v17, v8  }
0x5d: {  	v7 =	vld [tilespmem:s24+$0x30];
	v21 =	vadd.f32 v15, v34;
	v20 =	vand.u32 $0x7FFFFFFF, v18;
	v19 =	vand.u32 $0x7FFFFFFF, v19  }
0x5e: {  	v9 =	vld [tilespmem:s10+$0x0];
	v17 =	vadd.f32 v19, v20;
	v19 =	vsel vm15, v32, v31  }
0x5f: {  	v11 =	vld [tilespmem:s10+$0xFFFFFFC0];
	v8 =	vand.u32 $0x7FFFFFFF, v8;
	v22 =	vsub.f32 v21, v19  }
0x60: {  	v23 =	vld [tilespmem:s12+$0xFFFFFFD0];
	v8 =	vadd.f32 v8, v17  }
0x61: {  	v24 =	vld [tilespmem:s24+$0x10];
	v17 =	vand.u32 $0x7FFFFFFF, v22  }
0x62: {  	v14 =	vld [tilespmem:s12+$0x20];
	v25 =	vadd.f32 v17, v8  }
0x63: {  	v16 =	vld [tilespmem:s12+$0xFFFFFFE0]  }
0x64: {  	v13 =	vld [tilespmem:s24+$0x20];
	(xrf2) =	vadd.scan.msk.f32 $0xffff, v25  }
0x65: {  	v15 =	vld [tilespmem:s24+$0xFFFFFFE0]  }
0x66: {  	v18 =	vld [tilespmem:s12+$0x0]  }
0x67: {  	v20 =	vld [tilespmem:s12+$0xFFFFFFC0]  }
0x68: {  	v19 =	vld [tilespmem:s24+$0x0]  }
0x69: {  	s13 =	simm.s32 $0x1;
	v21 =	vld [tilespmem:s24+$0xFFFFFFC0]  }
0x6a: {  	v22 =	vld [tilespmem:s12+$0x10];
	v17 =	vmov s13  }
0x6b: {  	v8 =	vimm.f32 $0.0e+00;
	s13 =	simm.s32 $0x2;
	v27 =	vperm.xlane v4, v17;
	v26 =	vperm.xlane v5, v17;
	v25 =	vld [tilespmem:s24+$0xFFFFFFD0]  }
.LBB2_4:
0x6c: {  	p0 =	sne.s32 s13, $0xF;
	v28 =	vperm.xlane v3, v17;
	v29 =	vld [tilespmem:s10+$0x10]  }
0x6d: {  	vm2 =	veq.s32 v2, v0;
	v2 =	vmovc v17;
	vm1 =	veq.s32 v27, $0x0;
	vm0 =	veq.s32 v26, $0x0;
	v26 =	vld [tilespmem:s10+$0xFFFFFFD0]  }
0x6e: {  	vm3 =	veq.s32 v28, $0x0;
	v14 =	vsel vm1, v16, v14;
	v16 =	vsel vm1, v12, v10;
	v12 =	vld [tilespmem:s24+$0xFFFFFFF0];
	v10, _, _ =	vpop (xrf2)  }
0x6f: {  	v17 =	vsel vm1, v20, v18;
	v13 =	vsel vm3, v15, v13;
	v15 =	vld [tilespmem:s10+$0xFFFFFFE0];
	v10 =	vbroadcast v10, $0xF  }
0x70: {  	v18 =	vsel vm3, v21, v19;
	v19 =	vsel vm1, v23, v22;
	v20 =	vsel vm3, v25, v24;
	v21 =	vld [tilespmem:s10+$0x30]  }
0x71: {  	v17 =	vadd.f32 v18, v17;
	v18 =	vadd.f32 v20, v19;
	v19 =	vld [tilespmem:s10+$0xFFFFFFF0];
	s10 =	sadd.s32 $0x80, s10;
	v8 =	vsel vm2, v10, v8  }
0x72: {  	s12 =	sadd.s32 $0x80, s12;
	v9 =	vsel vm0, v11, v9;
	v13 =	vadd.f32 v13, v14;
	v20 =	vld [tilespmem:s10+$0x20];
	v11 =	vsel vm0, v26, v29  }
0x73: {  	v9 =	vsub.f32 v17, v9;
	v10 =	vld [tilespmem:s12+$0x30];
	v11 =	vsub.f32 v18, v11;
	v7 =	vsel vm3, v12, v7  }
0x74: {  	s24 =	sadd.s32 $0x80, s24;
	v12 =	vld [tilespmem:s12+$0xFFFFFFF0];
	v6 =	vsel vm0, v15, v6;
	v14 =	vadd.f32 v7, v16  }
0x75: {  	v15 =	vand.u32 $0x7FFFFFFF, v9;
	v7 =	vld [tilespmem:s24+$0x30];
	v11 =	vand.u32 $0x7FFFFFFF, v11;
	v17 =	vsub.f32 v13, v6  }
0x76: {  	v9 =	vld [tilespmem:s10+$0x0];
	v13 =	vadd.f32 v11, v15;
	v15 =	vsel vm0, v19, v21  }
0x77: {  	v11 =	vld [tilespmem:s10+$0xFFFFFFC0];
	v16 =	vand.u32 $0x7FFFFFFF, v17;
	v15 =	vsub.f32 v14, v15;
	v6 =	vmov v20  }
0x78: {  	v14 =	vld [tilespmem:s12+$0x20];
	v17 =	vadd.f32 v16, v13  }
0x79: {  	v16 =	vld [tilespmem:s12+$0xFFFFFFE0];
	v15 =	vand.u32 $0x7FFFFFFF, v15  }
0x7a: {  	v13 =	vld [tilespmem:s24+$0x20];
	v17 =	vadd.f32 v15, v17  }
0x7b: {  	v15 =	vld [tilespmem:s24+$0xFFFFFFE0]  }
0x7c: {  	v18 =	vld [tilespmem:s12+$0x0];
	(xrf2) =	vadd.scan.msk.f32 $0xffff, v17  }
0x7d: {  	v20 =	vld [tilespmem:s12+$0xFFFFFFC0]  }
0x7e: {  	v19 =	vld [tilespmem:s24+$0x0]  }
.Ltmp0:
0x7f: {  	v21 =	vld [tilespmem:s24+$0xFFFFFFC0];
	(pc) =	sbr.rel @p0 .LBB2_4-.Ltmp0, $4  }
0x80: {  	v22 =	vld [tilespmem:s12+$0x10]  }
0x81: {  	v23 =	vld [tilespmem:s12+$0xFFFFFFD0]  }
0x82: {  	v17 =	vmov s13;
	v24 =	vld [tilespmem:s24+$0x10]  }
0x83: {  	s13 =	sadd.s32 $0x1, s13;
	v27 =	vperm.xlane v4, v17;
	v26 =	vperm.xlane v5, v17;
	v25 =	vld [tilespmem:s24+$0xFFFFFFD0]  }
0x84: {  	v4 =	vld [tilespmem:s10+$0x10]  }
0x85: {  	v3 =	vperm.xlane v3, v17;
	v5 =	vld [tilespmem:s10+$0xFFFFFFD0];
	vm0 =	veq.s32 v27, $0x0  }
0x86: {  	v51 =	vld [tilespmem:s24+$0xFFFFFFF0];
	vm1 =	veq.s32 v26, $0x0;
	v14 =	vsel vm0, v16, v14  }
0x87: {  	v53 =	vld [tilespmem:s10+$0xFFFFFFE0];
	vm2 =	veq.s32 v3, $0x0;
	v3 =	vsel vm0, v12, v10;
	v52 =	vsel vm0, v20, v18  }
0x88: {  	v57 =	vld [tilespmem:s10+$0x30];
	v55 =	vsel vm0, v23, v22;
	v54 =	vsel vm2, v21, v19;
	v56 =	vsel vm2, v25, v24  }
0x89: {  	v59 =	vld [tilespmem:s10+$0xFFFFFFF0];
	v13 =	vsel vm2, v15, v13;
	v10 =	vadd.f32 v54, v52;
	v58 =	vadd.f32 v56, v55  }
0x8a: {  	v9 =	vsel vm1, v11, v9;
	v60 =	vadd.f32 v13, v14;
	v4 =	vsel vm1, v5, v4  }
0x8b: {  	v7 =	vsel vm2, v51, v7;
	v9 =	vsub.f32 v10, v9;
	v4 =	vsub.f32 v58, v4  }
0x8c: {  	v6 =	vsel vm1, v53, v6;
	v3 =	vadd.f32 v7, v3  }
0x8d: {  	v5 =	vsub.f32 v60, v6;
	v61 =	vand.u32 $0x7FFFFFFF, v9;
	v4 =	vand.u32 $0x7FFFFFFF, v4  }
0x8e: {  	v62 =	vsel vm1, v59, v57;
	v4 =	vadd.f32 v4, v61  }
0x8f: {  	v5 =	vand.u32 $0x7FFFFFFF, v5;
	v3 =	vsub.f32 v3, v62  }
0x90: {  	v4 =	vadd.f32 v5, v4  }
0x91: {  	v3 =	vand.u32 $0x7FFFFFFF, v3  }
0x92: {  	v3 =	vadd.f32 v3, v4;
	_ =	sdelay $0x1  }
0x93: {  	(xrf2) =	vadd.scan.msk.f32 $0xffff, v3;
	_ =	sdelay $0x8  }
0x94: {  	v3, _, _ =	vpop (xrf2)  }
0x95: {  	s4 =	sadd.s32 $0x1, s4;
	v3 =	vbroadcast v3, $0xF;
	v63, _, _ =	vpop (xrf2)  }
0x96: {  	vm14 =	veq.s32 v2, v0;
	p0 =	sne.s32 s4, $0x8;
	v2 =	vbroadcast v63, $0xF  }
.Ltmp1:
0x97: {  	vm15 =	veq.s32 v17, v0;
	v3 =	vsel vm14, v3, v8;
	(pc) =	sbr.rel @p0 .LBB2_3-.Ltmp1, $3  }
0x98: {  	v2 =	vsel vm15, v2, v3  }
0x99: {  	v2 =	vsub.f32 $1.200000000e+01, v2;
	_ =	sdelay $0x1  }
0x9a: {  	s29 =	sadd.s32 $0x800, s29;
	s30 =	sadd.s32 $0x800, s30;
	s31 =	sadd.s32 $0x800, s31;
	[tilespmem:v1+s8+$0x0 ss:$0x1] =	vst.idx.msk $0xffff, v2  }
0x9b: {  	s26 =	sadd.s32 $0x1, s26  }
0x9c: {  	p0 =	sne.s32 s26, $0x4  }
.Ltmp2:
0x9d: {  	_ = 	snop;
	(pc) =	sbr.rel @p0 .LBB2_2-.Ltmp2, $1  }
0x9e: {  	_ =	sdelay $0x3  }
0x9f: {  	s4 =	simm.s32 $0x0;
	s8 =	rddreg [dreg:$0xa];
	s10 =	simm.s32 $0xC300  }
0xa0: {  	[hbm4b:s8+s4] =	stream.linear.scatter [tilespmem:s10], [sflag:$0x2], $0x200, $0x38;
	[tilespmem:$0xC500] =	vst v63  }
0xa1: {  	_ =	swait.ge [sflag:s14], $0x200  }
0xa2: {  	s25 =	sadd.s32 $0x1, s25;
	s31 =	rddreg [dreg:$0xb]  }
0xa3: {  	p0 =	sne.s32 s25, s31  }
.Ltmp3:
0xa4: {  	_ = 	snop;
	(pc) =	sbr.rel @p0 .LBB2_1-.Ltmp3, $3  }
0xa5: {  	_ =	sdelay $0x1  }
0xa6: {  	[sflag:s14] =	ssyncset.done $0x0  }
0xa7: {  	[sflag:s14] =	ssyncadd.s32 $0xFFFFFE00  }
0xa8: {  	_ =	sfence.sel $0x180000  }
0xa9: {  	[bflag:$0x0] =	sbarrier.arrive $0xFFFF  }
0xaa: {  	_ =	strace $0x90000047  }
0xab: {  	s0 =	stileid.u32;
	[bflag:$0x2] =	sbarrier.arrive $0xFFFF  }
0xac: {  	p0 =	sne.s32 s0, $0x0;
	s0 =	rddreg [dreg:$0x9]  }
0xad: {  	s0 =	sadd.s32 @!p0 $0x100000, s0  }
0xae: {  	[sflag:s0] =	ssyncadd.tile.s32 @!p0 $0x1;
	_ =	shalt  }
.Lfunc_end2:
_tile_overlayer_lowered:
.L_overlay_start_2:
0xaf: {  	(tag) =	ssettag $0x2  }
0xb0: {  	s0 =	rddreg [dreg:$0x0];
	s2 =	stileid.u32  }
0xb1: {  	s1 =	rddreg [dreg:$0x1];
	p0 =	sne.s32 s2, $0x0  }
0xb2: {  	s3 =	rddreg [dreg:$0x2];
	[bflag:$0x3] =	sbarrier.arrive $0xFFFF;
	s2 =	simm.s32 @!p0 $0x1C02  }
0xb3: {  	[timem:s3], [sflag:s2] =	dma.local @!p0 [hbm:s0], s1  }
0xb4: {  	s0 =	simm.s32 @!p0 $0x2  }
0xb5: {  	_ =	swait.ge @!p0 [sflag:s0], s1  }
0xb6: {  	s1 =	ssub.s32 @!p0 $0x0, s1;
	[sflag:s0] =	ssyncset.done @!p0 $0x0  }
0xb7: {  	[sflag:s0] =	ssyncadd.s32 @!p0 s1  }
0xb8: {  	[bflag:$0x3] =	sbarrier.arrive $0xFFFF  }
0xb9: {  	_ =	shalt  }

</sc_bundles>
